<compile_context>
chip_gen: v7x
topology: tpu7x:2x2x1
jax: 0.10.2.dev20260603
libtpu: 0.0.44.dev20260713+nightly
codegen_flags: <defaults>
</compile_context>

<pallas_src>
import functools

import jax
import jax.numpy as jnp
from jax import lax
from jax.experimental import pallas as pl
from jax.experimental.pallas import tpu as pltpu
from jax.experimental.pallas import tpu_sc as plsc

LANES = 16
CHUNK = 104


def _make_sc_kernel(B, T, L, K, D, nc, ns, interpret=False):
    NW = nc * ns
    N = B * L * K
    per_b = L * K
    chunks_per_b = per_b // CHUNK
    b_per_w = B // NW
    n_chunks = b_per_w * chunks_per_b
    enc_rows = T * K
    enc_skip = (T - L) * K

    mesh = plsc.VectorSubcoreMesh(core_axis_name="c", subcore_axis_name="s",
                                  num_cores=nc, num_subcores=ns)

    @functools.partial(
        pl.kernel,
        out_type=jax.ShapeDtypeStruct((N,), jnp.float32),
        mesh=mesh,
        scratch_types=[
            pltpu.VMEM((CHUNK,), jnp.int32),
            pltpu.VMEM((CHUNK, D), jnp.float32),
            pltpu.VMEM((CHUNK * D,), jnp.float32),
            pltpu.VMEM((CHUNK,), jnp.float32),
            pltpu.SemaphoreType.DMA,
        ],
        compiler_params=pltpu.CompilerParams(
            needs_layout_passes=False,
            use_tc_tiling_on_sc=False,
        ),
        interpret=interpret,
    )
    def sc_kernel(enc_hbm, idx_hbm, table_hbm, out_hbm,
                  idx_v, rows_v, enc_v, out_v, sem):
        wid = lax.axis_index("s") * nc + lax.axis_index("c")
        lane = lax.iota(jnp.int32, LANES)
        last_lane = lane == (LANES - 1)

        def chunk_body(c, carry):
            b = wid * b_per_w + c // chunks_per_b
            r0 = (c % chunks_per_b) * CHUNK
            gbase = b * per_b + r0
            erow = b * enc_rows + enc_skip + r0
            pltpu.sync_copy(idx_hbm.at[pl.ds(gbase, CHUNK)], idx_v)
            gather = pltpu.async_copy(table_hbm.at[idx_v], rows_v, sem)
            pltpu.sync_copy(enc_hbm.at[pl.ds(erow * D, CHUNK * D)], enc_v)
            gather.wait()

            def item_body(i, carry2):
                acc = (rows_v[i, pl.ds(0, LANES)]
                       * enc_v[pl.ds(i * D, LANES)])
                for j in range(1, D // LANES):
                    acc = acc + (rows_v[i, pl.ds(j * LANES, LANES)]
                                 * enc_v[pl.ds(i * D + j * LANES, LANES)])
                cum = plsc.cumsum(acc)
                plsc.store_scatter(out_v, [jnp.full((LANES,), i, jnp.int32)],
                                   cum, mask=last_lane)
                return carry2

            lax.fori_loop(0, CHUNK, item_body, 0)
            pltpu.sync_copy(out_v, out_hbm.at[pl.ds(gbase, CHUNK)])
            return carry

        lax.fori_loop(0, n_chunks, chunk_body, 0)

    return sc_kernel


def kernel(encoded, output_items, emb_table):
    B, T, K, D = encoded.shape
    L = output_items.shape[1]
    info = plsc.get_sparse_core_info()
    k = _make_sc_kernel(B, T, L, K, D, info.num_cores, info.num_subcores)
    enc2 = encoded.reshape(-1)
    idx = output_items.reshape(-1).astype(jnp.int32)
    out = k(enc2, idx, emb_table)
    return out.reshape(B, L, K)

# --- scband reference (transcript-rebuilt; emitter-appended) ---
"""Pipeline reference for scband-matrix-factorization-layer-38860864094671 (READ-ONLY COPY).

The authoritative reference and input builder live on the scoring server;
editing this copy changes nothing except your own understanding.
"""

import jax, jax.numpy as jnp
import numpy as np

B, T, L, K, D = 1024, 50, 20, 26, 64
VOCAB = 100000

def setup_inputs(seed: int = 0) -> dict:
    key = jax.random.key(seed)
    k1, k2, k3 = jax.random.split(key, 3)
    encoded = jax.random.normal(k1, (B, T, K, D), dtype=jnp.float32)
    output_items = jax.random.randint(k2, (B, L, K), 0, VOCAB, dtype=jnp.int64)
    emb_table = jax.random.normal(k3, (VOCAB, D), dtype=jnp.float32) * 0.02
    return {"encoded": encoded, "output_items": output_items, "emb_table": emb_table}

def reference(encoded, output_items, emb_table):
    # item_emb(output_items): embedding gather -> [B, L, K, D]
    output_items_emb = jnp.take(emb_table, output_items, axis=0)
    # encoded[:, -L:, :, :]
    Lq = output_items.shape[1]
    enc = encoded[:, -Lq:, :, :]
    # (encoded * emb).sum(dim=-1) -> [B, L, K]
    scores = (enc * output_items_emb).sum(axis=-1)
    return scores

if __name__ == "__main__":
    import jax
    _d = setup_inputs()
    print(jax.jit(kernel)(*tuple(_d.values())))

</pallas_src>

<mosaic_0001>
#map = affine_map<(d0, d1) -> (0)>
#map1 = affine_map<(d0, d1) -> (0, 0)>
module attributes {stable_mosaic.version = 14 : i64} {
  func.func @sc_kernel(%arg0: i32, %arg1: i32, %arg2: memref<85196800xf32, #tpu.memory_space<hbm>>, %arg3: memref<532480xi32, #tpu.memory_space<hbm>>, %arg4: memref<100000x64xf32, #tpu.memory_space<hbm>>, %arg5: memref<532480xf32, #tpu.memory_space<hbm>>, %arg6: memref<104xi32, #tpu.memory_space<vmem>>, %arg7: memref<104x64xf32, #tpu.memory_space<vmem>>, %arg8: memref<6656xf32, #tpu.memory_space<vmem>>, %arg9: memref<104xf32, #tpu.memory_space<vmem>>, %arg10: memref<!tpu.dma_semaphore, #tpu.memory_space<semaphore_mem>>) attributes {dimension_semantics = [#tpu.dimension_semantics<core_parallel>, #tpu.dimension_semantics<subcore_parallel>], iteration_bounds = array<i64: 2, 16>, scalar_prefetch = 0 : i64, scratch_operands = 5 : i64, tpu.core_type = #tpu.core_type<sc_vector_subcore>, window_params = [{transform_indices = #map}, {transform_indices = #map}, {transform_indices = #map1}, {transform_indices = #map}]} {
    %mul3A = arith.constant 2 : i32
    %mul3A_0 = arith.muli %arg1, %mul3A : i32
    %add3A = arith.addi %mul3A_0, %arg0 : i32
    %iota3A = tpu.iota {dimensions = array<i32: 0>} : vector<16xi32>
    %eq3A = arith.constant 15 : i32
    %eq3A_1 = vector.broadcast %eq3A : i32 to vector<16xi32>
    %eq3A_2 = arith.cmpi eq, %iota3A, %eq3A_1 : vector<16xi32>
    %scan3A = arith.constant 0 : i32
    %scan3A_3 = arith.constant 0 : i32
    %scan3A_4 = arith.constant 160 : i32
    %scan3A_5 = arith.addi %scan3A_3, %scan3A_4 : i32
    %scan3A_6 = arith.constant 1 : i32
    scf.for %scan3A_8 = %scan3A_3 to %scan3A_5 step %scan3A_6  : i32 {
      %mul3A_9 = arith.constant 32 : i32
      %mul3A_10 = arith.muli %add3A, %mul3A_9 : i32
      %jit3A = arith.constant 5 : i32
      %div3A = arith.divsi %scan3A_8, %jit3A : i32
      %sign3A = arith.constant 0 : i32
      %sign3A_11 = arith.cmpi sgt, %scan3A_8, %sign3A : i32
      %sign3A_12 = arith.extui %sign3A_11 : i1 to i32
      %sign3A_13 = arith.constant 0 : i32
      %sign3A_14 = arith.cmpi slt, %scan3A_8, %sign3A_13 : i32
      %sign3A_15 = arith.extui %sign3A_14 : i1 to i32
      %sign3A_16 = arith.subi %sign3A_12, %sign3A_15 : i32
      %sign3A_17 = arith.constant 0 : i32
      %sign3A_18 = arith.cmpi sgt, %jit3A, %sign3A_17 : i32
      %sign3A_19 = arith.extui %sign3A_18 : i1 to i32
      %sign3A_20 = arith.constant 0 : i32
      %sign3A_21 = arith.cmpi slt, %jit3A, %sign3A_20 : i32
      %sign3A_22 = arith.extui %sign3A_21 : i1 to i32
      %sign3A_23 = arith.subi %sign3A_19, %sign3A_22 : i32
      %ne3A = arith.cmpi ne, %sign3A_16, %sign3A_23 : i32
      %rem3A = arith.remsi %scan3A_8, %jit3A : i32
      %ne3A_24 = arith.constant 0 : i32
      %ne3A_25 = arith.cmpi ne, %rem3A, %ne3A_24 : i32
      %and3A = arith.andi %ne3A, %ne3A_25 : i1
      %sub3A = arith.constant 1 : i32
      %sub3A_26 = arith.subi %div3A, %sub3A : i32
      %select_n3A = arith.select %and3A, %sub3A_26, %div3A : i32
      %add3A_27 = arith.addi %mul3A_10, %select_n3A : i32
      %jit3A_28 = arith.constant 5 : i32
      %eq3A_29 = arith.constant 0 : i32
      %eq3A_30 = arith.cmpi eq, %jit3A_28, %eq3A_29 : i32
      %jit3A_31 = arith.constant 1 : i32
      %select_n3A_32 = arith.select %eq3A_30, %jit3A_31, %jit3A_28 : i32
      %rem3A_33 = arith.remsi %scan3A_8, %select_n3A_32 : i32
      %ne3A_34 = arith.constant 0 : i32
      %ne3A_35 = arith.cmpi ne, %rem3A_33, %ne3A_34 : i32
      %lt3A = arith.constant 0 : i32
      %lt3A_36 = arith.cmpi slt, %rem3A_33, %lt3A : i32
      %lt3A_37 = arith.constant 0 : i32
      %lt3A_38 = arith.cmpi slt, %select_n3A_32, %lt3A_37 : i32
      %ne3A_39 = arith.xori %lt3A_36, %lt3A_38 : i1
      %and3A_40 = arith.andi %ne3A_39, %ne3A_35 : i1
      %add3A_41 = arith.addi %rem3A_33, %select_n3A_32 : i32
      %select_n3A_42 = arith.select %and3A_40, %add3A_41, %rem3A_33 : i32
      %mul3A_43 = arith.constant 104 : i32
      %mul3A_44 = arith.muli %select_n3A_42, %mul3A_43 : i32
      %mul3A_45 = arith.constant 520 : i32
      %mul3A_46 = arith.muli %add3A_27, %mul3A_45 : i32
      %add3A_47 = arith.addi %mul3A_46, %mul3A_44 : i32
      %mul3A_48 = arith.constant 1300 : i32
      %mul3A_49 = arith.muli %add3A_27, %mul3A_48 : i32
      %add3A_50 = arith.constant 780 : i32
      %add3A_51 = arith.addi %mul3A_49, %add3A_50 : i32
      %add3A_52 = arith.addi %add3A_51, %mul3A_44 : i32
      "tpu.region"() ({
        %run_scoped3A = tpu.sem_alloc : memref<!tpu.dma_semaphore, #tpu.memory_space<semaphore_mem>>
        %dma_start3A_65 = tpu.memref_slice %arg3[%add3A_47] : memref<532480xi32, #tpu.memory_space<hbm>> -> memref<104xi32, #tpu.memory_space<hbm>>
        %dma_start3A_66 = tpu.memref_slice %arg3[%add3A_47] : memref<532480xi32, #tpu.memory_space<hbm>> -> memref<104xi32, #tpu.memory_space<hbm>>
        tpu.enqueue_dma source(%dma_start3A_66 : memref<104xi32, #tpu.memory_space<hbm>>) target(%arg6 : memref<104xi32, #tpu.memory_space<vmem>>) target_semaphore(%run_scoped3A : memref<!tpu.dma_semaphore, #tpu.memory_space<semaphore_mem>>)
        %dma_wait3A_67 = tpu.memref_slice %arg3[%add3A_47] : memref<532480xi32, #tpu.memory_space<hbm>> -> memref<104xi32, #tpu.memory_space<hbm>>
        %dma_wait3A_68 = tpu.memref_slice %arg3[%add3A_47] : memref<532480xi32, #tpu.memory_space<hbm>> -> memref<104xi32, #tpu.memory_space<hbm>>
        tpu.wait_dma2 semaphore(%run_scoped3A : memref<!tpu.dma_semaphore, #tpu.memory_space<semaphore_mem>>) src(%dma_wait3A_68 : memref<104xi32, #tpu.memory_space<hbm>>) dst(%arg6 : memref<104xi32, #tpu.memory_space<vmem>>)
        tpu.yield
      }) : () -> ()
      %dma_start3A = arith.constant 0 : i32
      %dma_start3A_53 = arith.constant 0 : i32
      %dma_start3A_54 = tpu.memref_slice %arg4[%dma_start3A, %dma_start3A_53] : memref<100000x64xf32, #tpu.memory_space<hbm>> -> memref<100000x64xf32, #tpu.memory_space<hbm>>
      tpu.enqueue_indirect_dma source(%dma_start3A_54 : memref<100000x64xf32, #tpu.memory_space<hbm>>) target(%arg7 : memref<104x64xf32, #tpu.memory_space<vmem>>) offsets(%arg6 : memref<104xi32, #tpu.memory_space<vmem>>) semaphore(%arg10 : memref<!tpu.dma_semaphore, #tpu.memory_space<semaphore_mem>>)
      %mul3A_55 = arith.constant 64 : i32
      %mul3A_56 = arith.muli %add3A_52, %mul3A_55 : i32
      "tpu.region"() ({
        %run_scoped3A = tpu.sem_alloc : memref<!tpu.dma_semaphore, #tpu.memory_space<semaphore_mem>>
        %dma_start3A_65 = tpu.memref_slice %arg2[%mul3A_56] : memref<85196800xf32, #tpu.memory_space<hbm>> -> memref<6656xf32, #tpu.memory_space<hbm>>
        %dma_start3A_66 = tpu.memref_slice %arg2[%mul3A_56] : memref<85196800xf32, #tpu.memory_space<hbm>> -> memref<6656xf32, #tpu.memory_space<hbm>>
        tpu.enqueue_dma source(%dma_start3A_66 : memref<6656xf32, #tpu.memory_space<hbm>>) target(%arg8 : memref<6656xf32, #tpu.memory_space<vmem>>) target_semaphore(%run_scoped3A : memref<!tpu.dma_semaphore, #tpu.memory_space<semaphore_mem>>)
        %dma_wait3A_67 = tpu.memref_slice %arg2[%mul3A_56] : memref<85196800xf32, #tpu.memory_space<hbm>> -> memref<6656xf32, #tpu.memory_space<hbm>>
        %dma_wait3A_68 = tpu.memref_slice %arg2[%mul3A_56] : memref<85196800xf32, #tpu.memory_space<hbm>> -> memref<6656xf32, #tpu.memory_space<hbm>>
        tpu.wait_dma2 semaphore(%run_scoped3A : memref<!tpu.dma_semaphore, #tpu.memory_space<semaphore_mem>>) src(%dma_wait3A_68 : memref<6656xf32, #tpu.memory_space<hbm>>) dst(%arg8 : memref<6656xf32, #tpu.memory_space<vmem>>)
        tpu.yield
      }) : () -> ()
      %dma_wait3A = arith.constant 0 : i32
      %dma_wait3A_57 = arith.constant 0 : i32
      %dma_wait3A_58 = tpu.memref_slice %arg4[%dma_wait3A, %dma_wait3A_57] : memref<100000x64xf32, #tpu.memory_space<hbm>> -> memref<100000x64xf32, #tpu.memory_space<hbm>>
      tpu.wait_indirect_dma semaphore(%arg10 : memref<!tpu.dma_semaphore, #tpu.memory_space<semaphore_mem>>) src(%dma_wait3A_58 : memref<100000x64xf32, #tpu.memory_space<hbm>>) dst(%arg7 : memref<104x64xf32, #tpu.memory_space<vmem>>)
      %scan3A_59 = arith.constant 0 : i32
      %scan3A_60 = arith.constant 0 : i32
      %scan3A_61 = arith.constant 104 : i32
      %scan3A_62 = arith.addi %scan3A_60, %scan3A_61 : i32
      %scan3A_63 = arith.constant 1 : i32
      scf.for %scan3A_65 = %scan3A_60 to %scan3A_62 step %scan3A_63  : i32 {
        %get3A = arith.index_cast %scan3A_65 : i32 to index
        %get3A_66 = arith.constant 0 : index
        %get3A_67 = tpu.vector_load %arg7[%get3A, %get3A_66] {strides = array<i32>} : memref<104x64xf32, #tpu.memory_space<vmem>>, vector<16xf32>,
        %mul3A_68 = arith.constant 64 : i32
        %mul3A_69 = arith.muli %scan3A_65, %mul3A_68 : i32
        %get3A_70 = arith.index_cast %mul3A_69 : i32 to index
        %get3A_71 = tpu.vector_load %arg8[%get3A_70] {strides = array<i32>} : memref<6656xf32, #tpu.memory_space<vmem>>, vector<16xf32>,
        %mul3A_72 = arith.mulf %get3A_67, %get3A_71 : vector<16xf32>
        %get3A_73 = arith.index_cast %scan3A_65 : i32 to index
        %get3A_74 = arith.constant 16 : index
        %get3A_75 = tpu.vector_load %arg7[%get3A_73, %get3A_74] {strides = array<i32>} : memref<104x64xf32, #tpu.memory_space<vmem>>, vector<16xf32>,
        %mul3A_76 = arith.constant 64 : i32
        %mul3A_77 = arith.muli %scan3A_65, %mul3A_76 : i32
        %add3A_78 = arith.constant 16 : i32
        %add3A_79 = arith.addi %mul3A_77, %add3A_78 : i32
        %get3A_80 = arith.index_cast %add3A_79 : i32 to index
        %get3A_81 = tpu.vector_load %arg8[%get3A_80] {strides = array<i32>} : memref<6656xf32, #tpu.memory_space<vmem>>, vector<16xf32>,
        %mul3A_82 = arith.mulf %get3A_75, %get3A_81 : vector<16xf32>
        %add3A_83 = arith.addf %mul3A_72, %mul3A_82 : vector<16xf32>
        %get3A_84 = arith.index_cast %scan3A_65 : i32 to index
        %get3A_85 = arith.constant 32 : index
        %get3A_86 = tpu.vector_load %arg7[%get3A_84, %get3A_85] {strides = array<i32>} : memref<104x64xf32, #tpu.memory_space<vmem>>, vector<16xf32>,
        %mul3A_87 = arith.constant 64 : i32
        %mul3A_88 = arith.muli %scan3A_65, %mul3A_87 : i32
        %add3A_89 = arith.constant 32 : i32
        %add3A_90 = arith.addi %mul3A_88, %add3A_89 : i32
        %get3A_91 = arith.index_cast %add3A_90 : i32 to index
        %get3A_92 = tpu.vector_load %arg8[%get3A_91] {strides = array<i32>} : memref<6656xf32, #tpu.memory_space<vmem>>, vector<16xf32>,
        %mul3A_93 = arith.mulf %get3A_86, %get3A_92 : vector<16xf32>
        %add3A_94 = arith.addf %add3A_83, %mul3A_93 : vector<16xf32>
        %get3A_95 = arith.index_cast %scan3A_65 : i32 to index
        %get3A_96 = arith.constant 48 : index
        %get3A_97 = tpu.vector_load %arg7[%get3A_95, %get3A_96] {strides = array<i32>} : memref<104x64xf32, #tpu.memory_space<vmem>>, vector<16xf32>,
        %mul3A_98 = arith.constant 64 : i32
        %mul3A_99 = arith.muli %scan3A_65, %mul3A_98 : i32
        %add3A_100 = arith.constant 48 : i32
        %add3A_101 = arith.addi %mul3A_99, %add3A_100 : i32
        %get3A_102 = arith.index_cast %add3A_101 : i32 to index
        %get3A_103 = tpu.vector_load %arg8[%get3A_102] {strides = array<i32>} : memref<6656xf32, #tpu.memory_space<vmem>>, vector<16xf32>,
        %mul3A_104 = arith.mulf %get3A_97, %get3A_103 : vector<16xf32>
        %add3A_105 = arith.addf %add3A_94, %mul3A_104 : vector<16xf32>
        %broadcast_in_dim3A = arith.constant true
        %broadcast_in_dim3A_106 = vector.broadcast %broadcast_in_dim3A : i1 to vector<16xi1>
        %masked_cumsum3A = tpu.scan <sum>, %add3A_105 masked %broadcast_in_dim3A_106 : vector<16xf32>, vector<16xi1> -> vector<16xf32>
        %broadcast_in_dim3A_107 = vector.broadcast %scan3A_65 : i32 to vector<16xi32>
        tpu.vector_store_idx %arg9[%broadcast_in_dim3A_107], %masked_cumsum3A masked %eq3A_2 : memref<104xf32, #tpu.memory_space<vmem>>[vector<16xi32>], vector<16xf32>, vector<16xi1>
      }
      %scan3A_64 = arith.constant 104 : i32
      "tpu.region"() ({
        %run_scoped3A = tpu.sem_alloc : memref<!tpu.dma_semaphore, #tpu.memory_space<semaphore_mem>>
        %dma_start3A_65 = tpu.memref_slice %arg5[%add3A_47] : memref<532480xf32, #tpu.memory_space<hbm>> -> memref<104xf32, #tpu.memory_space<hbm>>
        %dma_start3A_66 = tpu.memref_slice %arg5[%add3A_47] : memref<532480xf32, #tpu.memory_space<hbm>> -> memref<104xf32, #tpu.memory_space<hbm>>
        tpu.enqueue_dma source(%arg9 : memref<104xf32, #tpu.memory_space<vmem>>) target(%dma_start3A_66 : memref<104xf32, #tpu.memory_space<hbm>>) target_semaphore(%run_scoped3A : memref<!tpu.dma_semaphore, #tpu.memory_space<semaphore_mem>>)
        %dma_wait3A_67 = tpu.memref_slice %arg5[%add3A_47] : memref<532480xf32, #tpu.memory_space<hbm>> -> memref<104xf32, #tpu.memory_space<hbm>>
        %dma_wait3A_68 = tpu.memref_slice %arg5[%add3A_47] : memref<532480xf32, #tpu.memory_space<hbm>> -> memref<104xf32, #tpu.memory_space<hbm>>
        tpu.wait_dma2 semaphore(%run_scoped3A : memref<!tpu.dma_semaphore, #tpu.memory_space<semaphore_mem>>) src(%arg9 : memref<104xf32, #tpu.memory_space<vmem>>) dst(%dma_wait3A_68 : memref<104xf32, #tpu.memory_space<hbm>>)
        tpu.yield
      }) : () -> ()
    }
    %scan3A_7 = arith.constant 160 : i32
    return
  }
}

</mosaic_0001>

<sc_bundles>
// kernel: kernel.3.cloned.1.call-start
scs
__scs_entry_jumppad:
0x0: {  	(pc) =	sbr.rel $0x88, $3  }
0x1: {  	(tag) =	ssettag $0x0;
	lr =	simm.s32 $0x1  }
0x2: {  	[smem:$0x3F9E] =	sst lr;
	_ =	strace $0xD0000000  }
0x3: {  	_ = 	snop  }
0x4: {  	_ = 	snop  }
0x5: {  	_ = 	snop  }
0x6: {  	_ = 	snop  }
0x7: {  	_ = 	snop  }
__scs_overlays_trampoline_lowered:
0x8: {  	[smem:$0x3FAD] =	sst s0  }
0x9: {  	[smem:$0x3FAE] =	sst s1  }
0xa: {  	[smem:$0x3FAF] =	sst s2  }
0xb: {  	[smem:$0x3FB0] =	sst s3  }
0xc: {  	[smem:$0x3FB1] =	sst s4  }
0xd: {  	[smem:$0x3FB2] =	sst s5  }
0xe: {  	[smem:$0x3FB3] =	sst s6  }
0xf: {  	[smem:$0x3FB4] =	sst s7  }
0x10: {  	[smem:$0x3FB5] =	sst s8  }
0x11: {  	[smem:$0x3FB6] =	sst s9;
	s0 =	simm.s32 @!p0 $0x0  }
0x12: {  	s1 =	sld [smem:$0x3F9C];
	s0 =	simm.s32 @p0 $0x1  }
0x13: {  	[smem:$0x3FB7] =	sst s0;
	s0 =	simm.s32 @!p1 $0x0  }
0x14: {  	s2 =	sld [smem:$0x3F9B];
	s0 =	simm.s32 @p1 $0x1  }
0x15: {  	[smem:$0x3FB8] =	sst s0;
	s0 =	simm.s32 @!p2 $0x0  }
0x16: {  	s3 =	sld [smem:$0x3FDB];
	s0 =	simm.s32 @p2 $0x1  }
0x17: {  	s4 =	simm.s32 $0x1BF5;
	[smem:$0x3FBA] =	sst s0  }
0x18: {  	s0 =	sld [smem:$0x3F9D];
	_ =	swait.ge [sflag:s4], $0x0  }
0x19: {  	s7 =	sld [smem:$0x3F9E]  }
0x1a: {  	s8 =	sadd.s32 $0xFFFFE003, lr  }
0x1b: {  	s9 =	sadd.s32 $0xFFFFFEF7, lr;
	s5 =	simm.s32 $0xFFFFFFFF;
	p2 =	slt.u32 s8, $0xFFFFF086  }
0x1c: {  	p1 =	slt.u32 s9, $0xF7A;
	s5 =	simm.s32 @!p2 $0x0  }
0x1d: {  	s5 =	simm.s32 @p1 $0x1;
	p0 =	seq.s32 s7, s2  }
0x1e: {  	s7 =	smul.u32 @!p0 $0xF7A, s2;
	p2 =	seq.s32 @!p0 s5, $0x0  }
0x1f: {  	s9 =	smul.u32 $0xF7A, s1;
	s8 =	simm.s32 @!p0 $0x1BF5;
	p2 =	por !p2, p0  }
0x20: {  	[sflag:s8] =	ssyncset.s32 @!p0 $0xFFFFF086;
	s6 =	sadd.s32 @!p0 s3, s7;
	s7 =	simm.s32 @!p0 $0x108  }
0x21: {  	s3 =	sadd.s32 s3, s9;
	s6 =	sadd.s32 @!p0 $0x88, s6;
	s7 =	simm.s32 @p2 $0x1082  }
0x22: {  	[simem:s7], [sflag:s8] =	dma.local @!p0 [hbm:s6], $0xF7A  }
0x23: {  	s9 =	sor.u32 $0xD0000000, s2;
	s6 =	simm.s32 $0x108;
	_ =	swait.ge @!p0 [sflag:s8], $0x0  }
0x24: {  	s3 =	sadd.s32 $0x88, s3;
	s6 =	simm.s32 @!p1 $0x1082;
	[sflag:s4] =	ssyncset.s32 $0xFFFFF086  }
0x25: {  	[simem:s6], [sflag:s4] =	dma.local [hbm:s3], $0xF7A  }
0x26: {  	[smem:$0x3F9E] =	sst s1;
	(tag) =	ssettag s2;
	_ =	strace s9  }
0x27: {  	s1 =	sld [smem:$0x3FAE]  }
0x28: {  	s2 =	sld [smem:$0x3FAF]  }
0x29: {  	s4 =	sld [smem:$0x3FB1]  }
0x2a: {  	p0 =	seq.s32 s5, $0x0;
	s5 =	sld [smem:$0x3FB2]  }
0x2b: {  	s6 =	sld [smem:$0x3FB3]  }
0x2c: {  	s7 =	sld [smem:$0x3FB4]  }
0x2d: {  	s3 =	simm.s32 $0x108;
	s8 =	sld [smem:$0x3FB5]  }
0x2e: {  	s3 =	simm.s32 @!p0 $0x1082;
	s9 =	sld [smem:$0x3FB6]  }
0x2f: {  	lr =	sadd.s32 s0, s3;
	s0 =	sld [smem:$0x3FAD]  }
0x30: {  	s3 =	sld [smem:$0x3FB0]  }
0x31: {  	[smem:$0x3FB9] =	sst s10  }
0x32: {  	s10 =	sld [smem:$0x3FB7];
	_ =	sdelay $0x3  }
0x33: {  	p0 =	seq.s32 s10, $0x1;
	s10 =	sld [smem:$0x3FB9];
	_ =	sdelay $0x3  }
0x34: {  	[smem:$0x3FB9] =	sst s10  }
0x35: {  	s10 =	sld [smem:$0x3FB8];
	_ =	sdelay $0x3  }
0x36: {  	p1 =	seq.s32 s10, $0x1;
	s10 =	sld [smem:$0x3FB9];
	_ =	sdelay $0x3  }
0x37: {  	[smem:$0x3FB9] =	sst s10  }
0x38: {  	s10 =	sld [smem:$0x3FBA]  }
0x39: {  	_ = 	snop;
	(pc) =	sbr.ind lr, $3  }
0x3a: {  	_ = 	snop  }
0x3b: {  	_ = 	snop  }
0x3c: {  	p2 =	seq.s32 s10, $0x1;
	s10 =	sld [smem:$0x3FB9]  }
0x3d: {  	_ =	shalt  }
0x3e: {  	_ =	shalt  }
0x3f: {  	_ =	shalt  }
0x40: {  	_ =	shalt  }
0x41: {  	_ =	shalt  }
0x42: {  	_ =	shalt  }
0x43: {  	_ =	shalt  }
0x44: {  	_ =	shalt  }
0x45: {  	_ =	shalt  }
0x46: {  	_ =	shalt  }
0x47: {  	_ =	shalt  }
0x48: {  	_ =	shalt  }
0x49: {  	_ =	shalt  }
0x4a: {  	_ =	shalt  }
0x4b: {  	_ =	shalt  }
0x4c: {  	_ =	shalt  }
0x4d: {  	_ =	shalt  }
0x4e: {  	_ =	shalt  }
0x4f: {  	_ =	shalt  }
0x50: {  	_ =	shalt  }
0x51: {  	_ =	shalt  }
0x52: {  	_ =	shalt  }
0x53: {  	_ =	shalt  }
0x54: {  	_ =	shalt  }
0x55: {  	_ =	shalt  }
0x56: {  	_ =	shalt  }
0x57: {  	_ =	shalt  }
0x58: {  	_ =	shalt  }
0x59: {  	_ =	shalt  }
0x5a: {  	_ =	shalt  }
0x5b: {  	_ =	shalt  }
0x5c: {  	_ =	shalt  }
0x5d: {  	_ =	shalt  }
0x5e: {  	_ =	shalt  }
0x5f: {  	_ =	shalt  }
0x60: {  	_ =	shalt  }
0x61: {  	_ =	shalt  }
0x62: {  	_ =	shalt  }
0x63: {  	_ =	shalt  }
0x64: {  	_ =	shalt  }
0x65: {  	_ =	shalt  }
0x66: {  	_ =	shalt  }
0x67: {  	_ =	shalt  }
0x68: {  	_ =	shalt  }
0x69: {  	_ =	shalt  }
0x6a: {  	_ =	shalt  }
0x6b: {  	_ =	shalt  }
0x6c: {  	_ =	shalt  }
0x6d: {  	_ =	shalt  }
0x6e: {  	_ =	shalt  }
0x6f: {  	_ =	shalt  }
0x70: {  	_ =	shalt  }
0x71: {  	_ =	shalt  }
0x72: {  	_ =	shalt  }
0x73: {  	_ =	shalt  }
0x74: {  	_ =	shalt  }
0x75: {  	_ =	shalt  }
0x76: {  	_ =	shalt  }
0x77: {  	_ =	shalt  }
0x78: {  	_ =	shalt  }
0x79: {  	_ =	shalt  }
0x7a: {  	_ =	shalt  }
0x7b: {  	_ =	shalt  }
0x7c: {  	_ =	shalt  }
0x7d: {  	_ =	shalt  }
0x7e: {  	_ =	shalt  }
0x7f: {  	_ =	shalt  }
0x80: {  	_ =	shalt  }
0x81: {  	_ =	shalt  }
0x82: {  	_ =	shalt  }
0x83: {  	_ =	shalt  }
0x84: {  	_ =	shalt  }
0x85: {  	_ =	shalt  }
0x86: {  	_ =	shalt  }
0x87: {  	_ =	shalt  }
.Lfunc_end0:
.L_simem_size_0:
called_computation_lowered:
.L_overlay_start_0:
0x88: {  	s2 =	sld [smem:$0x3FD9]  }
0x89: {  	s3 =	sld [smem:$0x3FFE];
	_ =	sdelay $0x1  }
0x8a: {  	s1 =	srdreg.scid  }
0x8b: {  	s0 =	sand.u32 $0x1, s1  }
0x8c: {  	s17 =	sshll.u32 s0, $0xA;
	s2 =	sadd.s32 s3, s2  }
0x8d: {  	s2 =	sadd.s32 s2, s17  }
0x8e: {  	[smem:$0x3FC5] =	sst s2  }
0x8f: {  	_ = 	snop  }
0x90: {  	s2 =	sld [smem:$0x3FD0];
	(tm) =	ssettm $0x1  }
0x91: {  	s18 =	sld [smem:$0x3FFB];
	_ =	sdelay $0x3  }
0x92: {  	_ =	strace s18  }
0x93: {  	s3 =	sld [smem:$0x3FFC];
	_ =	sdelay $0x3  }
0x94: {  	_ =	strace s3  }
0x95: {  	s3 =	sld [smem:$0x3FFD];
	_ =	sdelay $0x3  }
0x96: {  	_ =	strace s3  }
0x97: {  	_ =	strace $0x8FFFFFFF  }
0x98: {  	s19 =	sld [smem:$0x3FDB];
	_ =	sdelay $0x1  }
0x99: {  	s4 =	simm.s32 $_scs_section_size  }
0x9a: {  	s5 =	simm.s32 $_size__tile_overlayer_lowered;
	s6 =	simm.s32 $_tile_overlayer_lowered  }
0x9b: {  	s22 =	simm.s32 $0x1BFF;
	s21 =	sshll.u32 s6, $0x1;
	s3 =	sadd.s32 s4, s19  }
0x9c: {  	s7 =	simm.s32 $0x0;
	s20 =	sshll.u32 s5, $0x1;
	s5 =	sadd.s32 s21, s3  }
0x9d: {  	[timem:s7], [sflag:s22] =	dma.local [hbm:s5], s20  }
0x9e: {  	_ =	swait.ge [sflag:s22], s20  }
0x9f: {  	s4 =	ssub.s32 $0x0, s20;
	[sflag:s22] =	ssyncset.done $0x0  }
0xa0: {  	[sflag:s22] =	ssyncadd.s32 s4;
	_ =	sdelay $0x1  }
0xa1: {  	s23 =	simm.s32 $0x1B8B  }
0xa2: {  	_ =	swait.ge [sflag:s23], $0x1  }
0xa3: {  	[sflag:s23] =	ssyncset.done $0x0  }
0xa4: {  	s25 =	simm.s32 $0x1B8E;
	s24 =	sld [smem:$0x3FFE];
	[sflag:s23] =	ssyncadd.s32 $0xFFFFFFFF  }
0xa5: {  	s26 =	simm.s32 $execute0_lowered;
	[smem:$0x3FD2] =	sst s25  }
0xa6: {  	s5 =	sshll.u32 s26, $0x1;
	_ =	strace $0x80000046;
	[dreg:$0x1] =	wrdreg $0xFFFFFFFF  }
0xa7: {  	s28 =	simm.s32 $_size_execute0_lowered;
	s3 =	sadd.s32 s3, s5;
	[dreg:$0x0] =	wrdreg $0x0  }
0xa8: {  	s5 =	sshll.u32 s28, $0x1;
	[dreg:$0x2] =	wrdreg s3  }
0xa9: {  	[dreg:$0x3] =	wrdreg s5  }
0xaa: {  	[dreg:$0x4] =	wrdreg $0xC0  }
0xab: {  	_ =	task [dreg:s7], $0x5FFFF  }
0xac: {  	[dreg:$0x1] =	wrdreg $0xFFFFFFFF  }
0xad: {  	[dreg:$0x0] =	wrdreg $0x60  }
0xae: {  	[dreg:$0x2] =	wrdreg s24  }
0xaf: {  	[dreg:$0x3] =	wrdreg s2  }
0xb0: {  	[dreg:$0x4] =	wrdreg $0x9  }
0xb1: {  	_ =	task.clear_ibuf [dreg:s7], $0x5FFFF;
	_ =	strace $0x90000046  }
0xb2: {  	s29 =	simm.s32 $0x9;
	_ =	strace $0x80000048  }
0xb3: {  	_ =	swait.ge [sflag:s29], $0x1  }
0xb4: {  	[sflag:s29] =	ssyncadd.s32 $0xFFFFFFFF  }
0xb5: {  	_ =	strace $0x90000048  }
0xb6: {  	_ =	sfence  }
0xb7: {  	s30 =	sld [smem:$0x0];
	_ =	sdelay $0x2  }
0xb8: {  	s31 =	sshll.u32 s1, $0xD;
	s1 =	sshrl.u32 s1, $0x2  }
0xb9: {  	s3 =	sand.u32 $0x4000, s31;
	s1 =	sadd.s32 s1, s30  }
0xba: {  	s0 =	sor.u32 s3, s0;
	s1 =	sshll.u32 s1, $0x11  }
0xbb: {  	s0 =	sor.u32 s1, s0  }
0xbc: {  	s0 =	sadd.s32 $0x8F2B, s0  }
0xbd: {  	[sflag:s0] =	ssyncadd.remote.s32 $0x1  }
0xbe: {  	_ =	sfence.sel $0xFFFF  }
0xbf: {  	[dreg:$0x0] =	wrdreg $0xFFFFFFFF;
	(pc) =	sbr.abs _section_cstart, $3  }
0xc0: {  	[dreg:$0x1] =	wrdreg $0xFFFFFFFF  }
0xc1: {  	_ =	task.clear_ibuf [dreg:s7], $0x2FFFF;
	_ =	strace $0x9FFFFFFF  }
0xc2: {  	(tm) =	ssettm $0x7FFFFFFF  }
0xc3: {  	_ =	shalt  }
tec
execute0_lowered:
.L_overlay_start_1:
0x0: {  	(tag) =	ssettag $0x1  }
0x1: {  	s6 =	rddreg [dreg:$0x0]  }
0x2: {  	s1 =	rddreg [dreg:$0x1]  }
0x3: {  	s0 =	rddreg [dreg:$0x2];
	s2 =	simm.s32 $0x0  }
0x4: {  	s3 =	srdreg.scid;
	s10 =	simm.s32 $0x68;
	s11 =	simm.s32 $0x1A68  }
0x5: {  	s12 =	simm.s32 $0x1;
	s13 =	simm.s32 $0x3468;
	s14 =	simm.s32 $0x0  }
0x6: {  	[smem:$0x7FF] =	sst s2;
	s7 =	sand.u32 $0x1, s3;
	s4 =	sadd.s32 $0x1900800, s6  }
0x7: {  	s5 =	sadd.s32 $0x187200, s6;
	s3 =	stileid.u32;
	s8 =	ssub.s32 $0x2, s7  }
0x8: {  	s6 =	sadd.s32 $0x800, s6;
	_ =	strace $0x80000047;
	s9 =	sshrl.u32 s8, $0x1  }
0x9: {  	s31 =	sshll.u32 s3, $0x6;
	s7 =	sshll.u32 s7, $0x5;
	s8 =	ssub.s32 s8, s9  }
0xa: {  	vm0 =	vcmask $0x3F3C;
	s7 =	sor.u32 s7, s31;
	s9 =	simm.s32 $0x2;
	s8 =	smax.u32 s8, $0x1  }
.LBB2_1:
0xb: {  	s15 =	simm.s32 $0x0  }
.LBB2_2:
0xc: {  	s16 =	smul.u32 $0xCD, s15;
	_ =	sdelay $0x1  }
0xd: {  	s16 =	sshrl.u32 s16, $0xA  }
0xe: {  	s16 =	sand.u32 $0x3F, s16  }
0xf: {  	s17 =	smul.u32 $0x5, s16;
	_ =	sdelay $0x1  }
0x10: {  	s18 =	sadd.s32 s16, s7;
	s17 =	ssub.s32 s15, s17  }
0x11: {  	s16 =	smul.u32 $0x208, s18;
	s17 =	sand.u32 $0xFF, s17  }
0x12: {  	s19 =	smul.u32 $0x68, s17;
	_ =	sdelay $0x1  }
0x13: {  	s16 =	sadd.s32 s19, s16  }
0x14: {  	s16 =	sshrl.u32 s16, $0x3  }
0x15: {  	s18 =	smul.u32 $0x514, s18;
	s17 =	simm.s32 $0x0;
	s20 =	sadd.s32 s1, s16  }
0x16: {  	[tilespmem:s17], [sflag:$0x2] =	stream.linear.gather [hbm4b:s20+s17], $0x68, $0x38;
	[tilespmem:$0x34D0] =	vst v63  }
0x17: {  	s18 =	sadd.s32 s18, s19;
	_ =	swait.ge [sflag:s9], $0x68  }
0x18: {  	s18 =	sshll.u32 s18, $0x3;
	[sflag:s9] =	ssyncset.done $0x0  }
0x19: {  	s18 =	sadd.s32 s4, s18;
	[sflag:s9] =	ssyncadd.s32 $0xFFFFFF98  }
0x1a: {  	[tilespmem:s10], [sflag:$0x1] =	stream.indirect.gather [hbm4b:s5+s10], $0x40, s17, s10, $0xb8;
	[tilespmem:$0x34D0] =	vst v63  }
0x1b: {  	s18 =	sadd.s32 $0x1860, s18  }
0x1c: {  	[tilespmem:s11], [sflag:$0x2] =	stream.linear.gather [hbm4b:s18+s17], $0x1A00, $0x38;
	[tilespmem:$0x34D0] =	vst v63  }
0x1d: {  	_ =	swait.ge [sflag:s9], $0x1A00  }
0x1e: {  	[sflag:s9] =	ssyncset.done $0x0  }
0x1f: {  	[sflag:s9] =	ssyncadd.s32 $0xFFFFE600  }
0x20: {  	_ =	swait.ge [sflag:s12], $0x1A00  }
0x21: {  	[sflag:s12] =	ssyncset.done $0x0  }
0x22: {  	s18 =	simm.s32 $0x1A88;
	[sflag:s12] =	ssyncadd.s32 $0xFFFFE600  }
0x23: {  	s19 =	simm.s32 $0x88;
	v0 =	vld [tilespmem:s18+$0xFFFFFFE0]  }
0x24: {  	v1 =	vld [tilespmem:s19+$0xFFFFFFE0]  }
0x25: {  	v2 =	vld [tilespmem:s19+$0xFFFFFFF0]  }
0x26: {  	s20 =	simm.s32 $0x1;
	v3 =	vld [tilespmem:s18+$0xFFFFFFF0]  }
.LBB2_3:
0x27: {  	p0 =	sne.s32 s20, $0x67;
	v4 =	vld [tilespmem:s19+$0x0]  }
0x28: {  	v5 =	vld [tilespmem:s18+$0x0]  }
0x29: {  	v6 =	vld [tilespmem:s19+$0x10]  }
0x2a: {  	v7 =	vld [tilespmem:s18+$0x10]  }
0x2b: {  	v0 =	vmul.f32 v0, v1;
	v1 =	vmul.f32 v3, v2;
	_ =	sdelay $0x1  }
0x2c: {  	v0 =	vadd.f32 v1, v0;
	v1 =	vmul.f32 v5, v4;
	_ =	sdelay $0x1  }
0x2d: {  	v0 =	vadd.f32 v1, v0;
	v1 =	vmul.f32 v7, v6;
	_ =	sdelay $0x1  }
0x2e: {  	v0 =	vadd.f32 v1, v0;
	_ =	sdelay $0x1  }
0x2f: {  	(xrf2) =	vadd.scan.msk.f32 $0xffff, v0;
	_ =	sdelay $0x5  }
0x30: {  	v0 =	vmov s17;
	s17 =	smov.u32 s20;
	_ =	sdelay $0x3  }
0x31: {  	v1, _, _ =	vpop (xrf2)  }
.Ltmp0:
0x32: {  	s18 =	sadd.s32 $0x40, s18;
	[tilespmem:v0+s13+$0x0] =	vst.idx.msk vm0, v1;
	(pc) =	sbr.rel @p0 .LBB2_3-.Ltmp0, $4  }
0x33: {  	s19 =	sadd.s32 $0x40, s19;
	v0 =	vld [tilespmem:s18+$0xFFFFFFE0]  }
0x34: {  	v1 =	vld [tilespmem:s19+$0xFFFFFFE0]  }
0x35: {  	v2 =	vld [tilespmem:s19+$0xFFFFFFF0]  }
0x36: {  	s20 =	sadd.s32 $0x1, s20;
	v3 =	vld [tilespmem:s18+$0xFFFFFFF0]  }
0x37: {  	v4 =	vld [tilespmem:s19+$0x0]  }
0x38: {  	v5 =	vld [tilespmem:s18+$0x0]  }
0x39: {  	v6 =	vld [tilespmem:s19+$0x10]  }
0x3a: {  	v7 =	vld [tilespmem:s18+$0x10]  }
0x3b: {  	v0 =	vmul.f32 v0, v1;
	v59 =	vmul.f32 v3, v2;
	_ =	sdelay $0x1  }
0x3c: {  	v60 =	vmul.f32 v5, v4;
	v0 =	vadd.f32 v59, v0;
	_ =	sdelay $0x1  }
0x3d: {  	v61 =	vmul.f32 v7, v6;
	v0 =	vadd.f32 v60, v0;
	_ =	sdelay $0x1  }
0x3e: {  	v0 =	vadd.f32 v61, v0;
	_ =	sdelay $0x1  }
0x3f: {  	(xrf2) =	vadd.scan.msk.f32 $0xffff, v0;
	_ =	sdelay $0x5  }
0x40: {  	v62 =	vmov s17;
	_ =	sdelay $0x2  }
0x41: {  	s15 =	sadd.s32 $0x1, s15  }
0x42: {  	p0 =	sne.s32 s15, $0xA0;
	v63, _, _ =	vpop (xrf2)  }
.Ltmp1:
0x43: {  	s16 =	sadd.s32 s6, s16;
	[tilespmem:v62+s13+$0x0] =	vst.idx.msk vm0, v63;
	(pc) =	sbr.rel @p0 .LBB2_2-.Ltmp1, $4  }
0x44: {  	[hbm4b:s16+s2] =	stream.linear.scatter [tilespmem:s13], [sflag:$0x2], $0x68, $0x38;
	[tilespmem:$0x34D0] =	vst v63  }
0x45: {  	_ =	swait.ge [sflag:s9], $0x68  }
0x46: {  	[sflag:s9] =	ssyncset.done $0x0  }
0x47: {  	[sflag:s9] =	ssyncadd.s32 $0xFFFFFF98  }
0x48: {  	s14 =	sadd.s32 $0x1, s14  }
0x49: {  	p0 =	sne.s32 s14, s8  }
.Ltmp2:
0x4a: {  	_ = 	snop;
	(pc) =	sbr.rel @p0 .LBB2_1-.Ltmp2, $1  }
0x4b: {  	_ =	sdelay $0x3  }
0x4c: {  	_ =	sfence.sel $0x180000  }
0x4d: {  	[bflag:$0x0] =	sbarrier.arrive $0xFFFF  }
0x4e: {  	p0 =	sne.s32 s3, $0x0;
	_ =	strace $0x90000047  }
0x4f: {  	s0 =	sadd.s32 @!p0 $0x100000, s0;
	[bflag:$0x2] =	sbarrier.arrive $0xFFFF  }
0x50: {  	[sflag:s0] =	ssyncadd.tile.s32 @!p0 $0x1;
	_ =	shalt  }
.Lfunc_end2:
_tile_overlayer_lowered:
.L_overlay_start_2:
0x51: {  	(tag) =	ssettag $0x2  }
0x52: {  	s0 =	rddreg [dreg:$0x0];
	s2 =	stileid.u32  }
0x53: {  	s1 =	rddreg [dreg:$0x1];
	p0 =	sne.s32 s2, $0x0  }
0x54: {  	s3 =	rddreg [dreg:$0x2];
	[bflag:$0x3] =	sbarrier.arrive $0xFFFF;
	s2 =	simm.s32 @!p0 $0x1C02  }
0x55: {  	[timem:s3], [sflag:s2] =	dma.local @!p0 [hbm:s0], s1  }
0x56: {  	s0 =	simm.s32 @!p0 $0x2  }
0x57: {  	_ =	swait.ge @!p0 [sflag:s0], s1  }
0x58: {  	s1 =	ssub.s32 @!p0 $0x0, s1;
	[sflag:s0] =	ssyncset.done @!p0 $0x0  }
0x59: {  	[sflag:s0] =	ssyncadd.s32 @!p0 s1  }
0x5a: {  	[bflag:$0x3] =	sbarrier.arrive $0xFFFF  }
0x5b: {  	_ =	shalt  }

</sc_bundles>
